<compile_context>
chip_gen: v7x
topology: tpu7x:2x2x1
jax: 0.10.2.dev20260603
libtpu: 0.0.44.dev20260713+nightly
codegen_flags: <defaults>
</compile_context>

<pallas_src>
import functools

import jax
import jax.numpy as jnp
from jax import lax
from jax.experimental import pallas as pl
from jax.experimental.pallas import tpu as pltpu
from jax.experimental.pallas import tpu_sc as plsc


def _copy_body(x_ref, o_ref):
    o_ref[...] = x_ref[...]


def _bulk_copy(flat):
    B, W = flat.shape
    bb = 16
    return pl.pallas_call(
        _copy_body,
        grid=(B // bb,),
        in_specs=[pl.BlockSpec((bb, W), lambda i: (i, 0))],
        out_specs=pl.BlockSpec((bb, W), lambda i: (i, 0)),
        out_shape=jax.ShapeDtypeStruct((B, W), jnp.float32),
    )(flat)


def _make_sc_scatter(B, L, H, M, V):
    info = plsc.get_sparse_core_info()
    NC, NS, LN = info.num_cores, info.num_subcores, info.num_lanes
    NW = NC * NS
    bpw = B // NW
    ipw = bpw * M
    CH = 128
    NCH = ipw // CH
    UNROLL = CH // LN

    mesh = plsc.VectorSubcoreMesh(core_axis_name="c", subcore_axis_name="s")

    @functools.partial(
        pl.kernel,
        mesh=mesh,
        out_type=(),
        compiler_params=pltpu.CompilerParams(
            use_tc_tiling_on_sc=False, needs_layout_passes=False),
        scratch_types=[
            pltpu.VMEM((ipw,), jnp.int32),
            pltpu.VMEM((bpw, L), jnp.int32),
            pltpu.VMEM((NCH, CH), jnp.int32),
            pltpu.VMEM((NCH, CH), jnp.int32),
            pltpu.VMEM((CH, H), jnp.float32),
            pltpu.SemaphoreType.DMA,
        ],
    )
    def sc_scatter(out_hbm, cat_hbm, pos_hbm, emb_hbm,
                   pos_v, cat_v, tok_v, ridx_v, rows_v, sem):
        wid = lax.axis_index("s") * NC + lax.axis_index("c")
        b0 = wid * bpw
        j0 = wid * ipw
        pltpu.sync_copy(pos_hbm.at[pl.ds(j0, ipw)], pos_v)
        pltpu.sync_copy(cat_hbm.at[pl.ds(b0, bpw)], cat_v)

        @pl.loop(0, NCH)
        def _chunk(ci):
            for u in range(UNROLL):
                o = ci * CH + u * LN
                pv = pos_v[pl.ds(o, LN)]
                jj = o + lax.iota(jnp.int32, LN)
                bl = lax.div(jj, M)
                tok = plsc.load_gather(cat_v, [bl, pv])
                tok_v[ci, pl.ds(u * LN, LN)] = tok
                ridx_v[ci, pl.ds(u * LN, LN)] = (b0 + bl) * L + pv
            pltpu.async_copy(emb_hbm.at[tok_v.at[ci]], rows_v, sem).wait()
            pltpu.async_copy(rows_v, out_hbm.at[ridx_v.at[ci]], sem).wait()

    return sc_scatter


def kernel(inputs, categories, mask_positions, tokens_embedding):
    B, L, H = inputs.shape
    M = mask_positions.shape[1]
    V = tokens_embedding.shape[0]

    pos_flat = mask_positions.reshape(B * M)

    out2 = _bulk_copy(inputs.reshape(B, L * H))
    out_ref = jax.new_ref(out2.reshape(B * L, H))

    sc_scatter = _make_sc_scatter(B, L, H, M, V)
    sc_scatter(out_ref, categories, pos_flat, tokens_embedding)

    return out_ref[...].reshape(B, L, H)

# --- scband reference (transcript-rebuilt; emitter-appended) ---
"""Pipeline reference for scband-category-masking-68238440399025 (READ-ONLY COPY).

The authoritative reference and input builder live on the scoring server;
editing this copy changes nothing except your own understanding.
"""

import jax, jax.numpy as jnp
import numpy as np

B, L, H, M, V = 4096, 200, 64, 20, 1000000

def setup_inputs(seed: int = 0) -> dict:
    key = jax.random.key(seed)
    k1, k2, k3, k4 = jax.random.split(key, 4)
    inputs = jax.random.normal(k1, (B, L, H), dtype=jnp.float32)
    categories = jax.random.randint(k2, (B, L), 0, V, dtype=jnp.int32)
    mask_positions = jax.random.randint(k3, (B, M, 1), 0, L, dtype=jnp.int32)
    tokens_embedding = jax.random.normal(k4, (V, H), dtype=jnp.float32) * 0.02
    return {"inputs": inputs, "categories": categories, "mask_positions": mask_positions, "tokens_embedding": tokens_embedding}

def reference(inputs, categories, mask_positions, tokens_embedding):
    # mask_positions: [B, M, 1]; batch_dims=1 gather_nd over categories [B, L]
    pos = mask_positions[..., 0]  # [B, M]
    mask_categories = jnp.take_along_axis(categories, pos, axis=1)  # [B, M]
    mask_categories = mask_categories.reshape(-1, 1)  # [B*M, 1]
    # embedding lookup -> [B*M, 1, H], then squeeze axis=1 -> [B*M, H]
    mask_tensor = jnp.take(tokens_embedding, mask_categories, axis=0)
    mask_tensor = jnp.squeeze(mask_tensor, axis=1)
    # place_tensor_on_positions: overwrite inputs[b, pos[b, m], :] with mask_tensor rows
    batch_idx = jnp.repeat(jnp.arange(inputs.shape[0]), pos.shape[1])
    flat_pos = pos.reshape(-1)
    masked_inputs = inputs.at[batch_idx, flat_pos].set(mask_tensor)
    return masked_inputs

if __name__ == "__main__":
    import jax
    _d = setup_inputs()
    print(jax.jit(kernel)(*tuple(_d.values())))

</pallas_src>

<mosaic_0001>
#map = affine_map<(d0, d1) -> (0, 0)>
#map1 = affine_map<(d0, d1) -> (0)>
module attributes {stable_mosaic.version = 14 : i64} {
  func.func @new_body(%arg0: i32, %arg1: i32, %arg2: memref<819200x64xf32, #tpu.memory_space<hbm>>, %arg3: memref<4096x200xi32, #tpu.memory_space<hbm>>, %arg4: memref<81920xi32, #tpu.memory_space<hbm>>, %arg5: memref<1000000x64xf32, #tpu.memory_space<hbm>>, %arg6: memref<819200x64xf32, #tpu.memory_space<hbm>>, %arg7: memref<2560xi32, #tpu.memory_space<vmem>>, %arg8: memref<128x200xi32, #tpu.memory_space<vmem>>, %arg9: memref<20x128xi32, #tpu.memory_space<vmem>>, %arg10: memref<20x128xi32, #tpu.memory_space<vmem>>, %arg11: memref<128x64xf32, #tpu.memory_space<vmem>>, %arg12: memref<!tpu.dma_semaphore, #tpu.memory_space<semaphore_mem>>) attributes {dimension_semantics = [#tpu.dimension_semantics<core_parallel>, #tpu.dimension_semantics<subcore_parallel>], iteration_bounds = array<i64: 2, 16>, scalar_prefetch = 0 : i64, scratch_operands = 6 : i64, tpu.core_type = #tpu.core_type<sc_vector_subcore>, window_params = [{transform_indices = #map}, {transform_indices = #map}, {transform_indices = #map1}, {transform_indices = #map}, {transform_indices = #map}]} {
    %mul3A = arith.constant 2 : i32
    %mul3A_0 = arith.muli %arg1, %mul3A : i32
    %add3A = arith.addi %mul3A_0, %arg0 : i32
    %mul3A_1 = arith.constant 128 : i32
    %mul3A_2 = arith.muli %add3A, %mul3A_1 : i32
    %mul3A_3 = arith.constant 2560 : i32
    %mul3A_4 = arith.muli %add3A, %mul3A_3 : i32
    "tpu.region"() ({
      %run_scoped3A = tpu.sem_alloc : memref<!tpu.dma_semaphore, #tpu.memory_space<semaphore_mem>>
      %dma_start3A = tpu.memref_slice %arg4[%mul3A_4] : memref<81920xi32, #tpu.memory_space<hbm>> -> memref<2560xi32, #tpu.memory_space<hbm>>
      %dma_start3A_9 = tpu.memref_slice %arg4[%mul3A_4] : memref<81920xi32, #tpu.memory_space<hbm>> -> memref<2560xi32, #tpu.memory_space<hbm>>
      tpu.enqueue_dma source(%dma_start3A_9 : memref<2560xi32, #tpu.memory_space<hbm>>) target(%arg7 : memref<2560xi32, #tpu.memory_space<vmem>>) target_semaphore(%run_scoped3A : memref<!tpu.dma_semaphore, #tpu.memory_space<semaphore_mem>>)
      %dma_wait3A = tpu.memref_slice %arg4[%mul3A_4] : memref<81920xi32, #tpu.memory_space<hbm>> -> memref<2560xi32, #tpu.memory_space<hbm>>
      %dma_wait3A_10 = tpu.memref_slice %arg4[%mul3A_4] : memref<81920xi32, #tpu.memory_space<hbm>> -> memref<2560xi32, #tpu.memory_space<hbm>>
      tpu.wait_dma2 semaphore(%run_scoped3A : memref<!tpu.dma_semaphore, #tpu.memory_space<semaphore_mem>>) src(%dma_wait3A_10 : memref<2560xi32, #tpu.memory_space<hbm>>) dst(%arg7 : memref<2560xi32, #tpu.memory_space<vmem>>)
      tpu.yield
    }) : () -> ()
    "tpu.region"() ({
      %run_scoped3A = tpu.sem_alloc : memref<!tpu.dma_semaphore, #tpu.memory_space<semaphore_mem>>
      %dma_start3A = arith.constant 0 : i32
      %dma_start3A_9 = tpu.memref_slice %arg3[%mul3A_2, %dma_start3A] : memref<4096x200xi32, #tpu.memory_space<hbm>> -> memref<128x200xi32, #tpu.memory_space<hbm>>
      %dma_start3A_10 = arith.constant 0 : i32
      %dma_start3A_11 = tpu.memref_slice %arg3[%mul3A_2, %dma_start3A_10] : memref<4096x200xi32, #tpu.memory_space<hbm>> -> memref<128x200xi32, #tpu.memory_space<hbm>>
      tpu.enqueue_dma source(%dma_start3A_11 : memref<128x200xi32, #tpu.memory_space<hbm>>) target(%arg8 : memref<128x200xi32, #tpu.memory_space<vmem>>) target_semaphore(%run_scoped3A : memref<!tpu.dma_semaphore, #tpu.memory_space<semaphore_mem>>)
      %dma_wait3A = arith.constant 0 : i32
      %dma_wait3A_12 = tpu.memref_slice %arg3[%mul3A_2, %dma_wait3A] : memref<4096x200xi32, #tpu.memory_space<hbm>> -> memref<128x200xi32, #tpu.memory_space<hbm>>
      %dma_wait3A_13 = arith.constant 0 : i32
      %dma_wait3A_14 = tpu.memref_slice %arg3[%mul3A_2, %dma_wait3A_13] : memref<4096x200xi32, #tpu.memory_space<hbm>> -> memref<128x200xi32, #tpu.memory_space<hbm>>
      tpu.wait_dma2 semaphore(%run_scoped3A : memref<!tpu.dma_semaphore, #tpu.memory_space<semaphore_mem>>) src(%dma_wait3A_14 : memref<128x200xi32, #tpu.memory_space<hbm>>) dst(%arg8 : memref<128x200xi32, #tpu.memory_space<vmem>>)
      tpu.yield
    }) : () -> ()
    %scan3A = arith.constant 0 : i32
    %scan3A_5 = arith.constant 20 : i32
    %scan3A_6 = arith.addi %scan3A, %scan3A_5 : i32
    %scan3A_7 = arith.constant 1 : i32
    scf.for %scan3A_9 = %scan3A to %scan3A_6 step %scan3A_7  : i32 {
      %mul3A_10 = arith.constant 1 : i32
      %mul3A_11 = arith.muli %scan3A_9, %mul3A_10 : i32
      %add3A_12 = arith.constant 0 : i32
      %add3A_13 = arith.addi %add3A_12, %mul3A_11 : i32
      %mul3A_14 = arith.constant 128 : i32
      %mul3A_15 = arith.muli %add3A_13, %mul3A_14 : i32
      %add3A_16 = arith.constant 0 : i32
      %add3A_17 = arith.addi %mul3A_15, %add3A_16 : i32
      %get3A = arith.index_cast %add3A_17 : i32 to index
      %get3A_18 = tpu.vector_load %arg7[%get3A] {strides = array<i32>} : memref<2560xi32, #tpu.memory_space<vmem>>, vector<16xi32>,
      %iota3A = tpu.iota {dimensions = array<i32: 0>} : vector<16xi32>
      %add3A_19 = vector.broadcast %add3A_17 : i32 to vector<16xi32>
      %add3A_20 = arith.addi %add3A_19, %iota3A : vector<16xi32>
      %div3A = arith.constant 20 : i32
      %div3A_21 = vector.broadcast %div3A : i32 to vector<16xi32>
      %div3A_22 = arith.divsi %add3A_20, %div3A_21 : vector<16xi32>
      %gather3A = tpu.vector_load_idx %arg8[%div3A_22, %get3A_18] : memref<128x200xi32, #tpu.memory_space<vmem>>[vector<16xi32>, vector<16xi32>], vector<16xi32>,
      %swap3A = arith.index_cast %add3A_13 : i32 to index
      %swap3A_23 = arith.constant 0 : index
      %swap3A_24 = tpu.vector_load %arg9[%swap3A, %swap3A_23] {strides = array<i32>} : memref<20x128xi32, #tpu.memory_space<vmem>>, vector<16xi32>,
      tpu.vector_store %arg9[%swap3A, %swap3A_23], %gather3A {strides = array<i32>} : memref<20x128xi32, #tpu.memory_space<vmem>>, vector<16xi32>,
      %add3A_25 = vector.broadcast %mul3A_2 : i32 to vector<16xi32>
      %add3A_26 = arith.addi %add3A_25, %div3A_22 : vector<16xi32>
      %mul3A_27 = arith.constant 200 : i32
      %mul3A_28 = vector.broadcast %mul3A_27 : i32 to vector<16xi32>
      %mul3A_29 = arith.muli %add3A_26, %mul3A_28 : vector<16xi32>
      %add3A_30 = arith.addi %mul3A_29, %get3A_18 : vector<16xi32>
      %swap3A_31 = arith.index_cast %add3A_13 : i32 to index
      %swap3A_32 = arith.constant 0 : index
      %swap3A_33 = tpu.vector_load %arg10[%swap3A_31, %swap3A_32] {strides = array<i32>} : memref<20x128xi32, #tpu.memory_space<vmem>>, vector<16xi32>,
      tpu.vector_store %arg10[%swap3A_31, %swap3A_32], %add3A_30 {strides = array<i32>} : memref<20x128xi32, #tpu.memory_space<vmem>>, vector<16xi32>,
      %mul3A_34 = arith.constant 128 : i32
      %mul3A_35 = arith.muli %add3A_13, %mul3A_34 : i32
      %add3A_36 = arith.constant 16 : i32
      %add3A_37 = arith.addi %mul3A_35, %add3A_36 : i32
      %get3A_38 = arith.index_cast %add3A_37 : i32 to index
      %get3A_39 = tpu.vector_load %arg7[%get3A_38] {strides = array<i32>} : memref<2560xi32, #tpu.memory_space<vmem>>, vector<16xi32>,
      %iota3A_40 = tpu.iota {dimensions = array<i32: 0>} : vector<16xi32>
      %add3A_41 = vector.broadcast %add3A_37 : i32 to vector<16xi32>
      %add3A_42 = arith.addi %add3A_41, %iota3A_40 : vector<16xi32>
      %div3A_43 = arith.constant 20 : i32
      %div3A_44 = vector.broadcast %div3A_43 : i32 to vector<16xi32>
      %div3A_45 = arith.divsi %add3A_42, %div3A_44 : vector<16xi32>
      %gather3A_46 = tpu.vector_load_idx %arg8[%div3A_45, %get3A_39] : memref<128x200xi32, #tpu.memory_space<vmem>>[vector<16xi32>, vector<16xi32>], vector<16xi32>,
      %swap3A_47 = arith.index_cast %add3A_13 : i32 to index
      %swap3A_48 = arith.constant 16 : index
      %swap3A_49 = tpu.vector_load %arg9[%swap3A_47, %swap3A_48] {strides = array<i32>} : memref<20x128xi32, #tpu.memory_space<vmem>>, vector<16xi32>,
      tpu.vector_store %arg9[%swap3A_47, %swap3A_48], %gather3A_46 {strides = array<i32>} : memref<20x128xi32, #tpu.memory_space<vmem>>, vector<16xi32>,
      %add3A_50 = vector.broadcast %mul3A_2 : i32 to vector<16xi32>
      %add3A_51 = arith.addi %add3A_50, %div3A_45 : vector<16xi32>
      %mul3A_52 = arith.constant 200 : i32
      %mul3A_53 = vector.broadcast %mul3A_52 : i32 to vector<16xi32>
      %mul3A_54 = arith.muli %add3A_51, %mul3A_53 : vector<16xi32>
      %add3A_55 = arith.addi %mul3A_54, %get3A_39 : vector<16xi32>
      %swap3A_56 = arith.index_cast %add3A_13 : i32 to index
      %swap3A_57 = arith.constant 16 : index
      %swap3A_58 = tpu.vector_load %arg10[%swap3A_56, %swap3A_57] {strides = array<i32>} : memref<20x128xi32, #tpu.memory_space<vmem>>, vector<16xi32>,
      tpu.vector_store %arg10[%swap3A_56, %swap3A_57], %add3A_55 {strides = array<i32>} : memref<20x128xi32, #tpu.memory_space<vmem>>, vector<16xi32>,
      %mul3A_59 = arith.constant 128 : i32
      %mul3A_60 = arith.muli %add3A_13, %mul3A_59 : i32
      %add3A_61 = arith.constant 32 : i32
      %add3A_62 = arith.addi %mul3A_60, %add3A_61 : i32
      %get3A_63 = arith.index_cast %add3A_62 : i32 to index
      %get3A_64 = tpu.vector_load %arg7[%get3A_63] {strides = array<i32>} : memref<2560xi32, #tpu.memory_space<vmem>>, vector<16xi32>,
      %iota3A_65 = tpu.iota {dimensions = array<i32: 0>} : vector<16xi32>
      %add3A_66 = vector.broadcast %add3A_62 : i32 to vector<16xi32>
      %add3A_67 = arith.addi %add3A_66, %iota3A_65 : vector<16xi32>
      %div3A_68 = arith.constant 20 : i32
      %div3A_69 = vector.broadcast %div3A_68 : i32 to vector<16xi32>
      %div3A_70 = arith.divsi %add3A_67, %div3A_69 : vector<16xi32>
      %gather3A_71 = tpu.vector_load_idx %arg8[%div3A_70, %get3A_64] : memref<128x200xi32, #tpu.memory_space<vmem>>[vector<16xi32>, vector<16xi32>], vector<16xi32>,
      %swap3A_72 = arith.index_cast %add3A_13 : i32 to index
      %swap3A_73 = arith.constant 32 : index
      %swap3A_74 = tpu.vector_load %arg9[%swap3A_72, %swap3A_73] {strides = array<i32>} : memref<20x128xi32, #tpu.memory_space<vmem>>, vector<16xi32>,
      tpu.vector_store %arg9[%swap3A_72, %swap3A_73], %gather3A_71 {strides = array<i32>} : memref<20x128xi32, #tpu.memory_space<vmem>>, vector<16xi32>,
      %add3A_75 = vector.broadcast %mul3A_2 : i32 to vector<16xi32>
      %add3A_76 = arith.addi %add3A_75, %div3A_70 : vector<16xi32>
      %mul3A_77 = arith.constant 200 : i32
      %mul3A_78 = vector.broadcast %mul3A_77 : i32 to vector<16xi32>
      %mul3A_79 = arith.muli %add3A_76, %mul3A_78 : vector<16xi32>
      %add3A_80 = arith.addi %mul3A_79, %get3A_64 : vector<16xi32>
      %swap3A_81 = arith.index_cast %add3A_13 : i32 to index
      %swap3A_82 = arith.constant 32 : index
      %swap3A_83 = tpu.vector_load %arg10[%swap3A_81, %swap3A_82] {strides = array<i32>} : memref<20x128xi32, #tpu.memory_space<vmem>>, vector<16xi32>,
      tpu.vector_store %arg10[%swap3A_81, %swap3A_82], %add3A_80 {strides = array<i32>} : memref<20x128xi32, #tpu.memory_space<vmem>>, vector<16xi32>,
      %mul3A_84 = arith.constant 128 : i32
      %mul3A_85 = arith.muli %add3A_13, %mul3A_84 : i32
      %add3A_86 = arith.constant 48 : i32
      %add3A_87 = arith.addi %mul3A_85, %add3A_86 : i32
      %get3A_88 = arith.index_cast %add3A_87 : i32 to index
      %get3A_89 = tpu.vector_load %arg7[%get3A_88] {strides = array<i32>} : memref<2560xi32, #tpu.memory_space<vmem>>, vector<16xi32>,
      %iota3A_90 = tpu.iota {dimensions = array<i32: 0>} : vector<16xi32>
      %add3A_91 = vector.broadcast %add3A_87 : i32 to vector<16xi32>
      %add3A_92 = arith.addi %add3A_91, %iota3A_90 : vector<16xi32>
      %div3A_93 = arith.constant 20 : i32
      %div3A_94 = vector.broadcast %div3A_93 : i32 to vector<16xi32>
      %div3A_95 = arith.divsi %add3A_92, %div3A_94 : vector<16xi32>
      %gather3A_96 = tpu.vector_load_idx %arg8[%div3A_95, %get3A_89] : memref<128x200xi32, #tpu.memory_space<vmem>>[vector<16xi32>, vector<16xi32>], vector<16xi32>,
      %swap3A_97 = arith.index_cast %add3A_13 : i32 to index
      %swap3A_98 = arith.constant 48 : index
      %swap3A_99 = tpu.vector_load %arg9[%swap3A_97, %swap3A_98] {strides = array<i32>} : memref<20x128xi32, #tpu.memory_space<vmem>>, vector<16xi32>,
      tpu.vector_store %arg9[%swap3A_97, %swap3A_98], %gather3A_96 {strides = array<i32>} : memref<20x128xi32, #tpu.memory_space<vmem>>, vector<16xi32>,
      %add3A_100 = vector.broadcast %mul3A_2 : i32 to vector<16xi32>
      %add3A_101 = arith.addi %add3A_100, %div3A_95 : vector<16xi32>
      %mul3A_102 = arith.constant 200 : i32
      %mul3A_103 = vector.broadcast %mul3A_102 : i32 to vector<16xi32>
      %mul3A_104 = arith.muli %add3A_101, %mul3A_103 : vector<16xi32>
      %add3A_105 = arith.addi %mul3A_104, %get3A_89 : vector<16xi32>
      %swap3A_106 = arith.index_cast %add3A_13 : i32 to index
      %swap3A_107 = arith.constant 48 : index
      %swap3A_108 = tpu.vector_load %arg10[%swap3A_106, %swap3A_107] {strides = array<i32>} : memref<20x128xi32, #tpu.memory_space<vmem>>, vector<16xi32>,
      tpu.vector_store %arg10[%swap3A_106, %swap3A_107], %add3A_105 {strides = array<i32>} : memref<20x128xi32, #tpu.memory_space<vmem>>, vector<16xi32>,
      %mul3A_109 = arith.constant 128 : i32
      %mul3A_110 = arith.muli %add3A_13, %mul3A_109 : i32
      %add3A_111 = arith.constant 64 : i32
      %add3A_112 = arith.addi %mul3A_110, %add3A_111 : i32
      %get3A_113 = arith.index_cast %add3A_112 : i32 to index
      %get3A_114 = tpu.vector_load %arg7[%get3A_113] {strides = array<i32>} : memref<2560xi32, #tpu.memory_space<vmem>>, vector<16xi32>,
      %iota3A_115 = tpu.iota {dimensions = array<i32: 0>} : vector<16xi32>
      %add3A_116 = vector.broadcast %add3A_112 : i32 to vector<16xi32>
      %add3A_117 = arith.addi %add3A_116, %iota3A_115 : vector<16xi32>
      %div3A_118 = arith.constant 20 : i32
      %div3A_119 = vector.broadcast %div3A_118 : i32 to vector<16xi32>
      %div3A_120 = arith.divsi %add3A_117, %div3A_119 : vector<16xi32>
      %gather3A_121 = tpu.vector_load_idx %arg8[%div3A_120, %get3A_114] : memref<128x200xi32, #tpu.memory_space<vmem>>[vector<16xi32>, vector<16xi32>], vector<16xi32>,
      %swap3A_122 = arith.index_cast %add3A_13 : i32 to index
      %swap3A_123 = arith.constant 64 : index
      %swap3A_124 = tpu.vector_load %arg9[%swap3A_122, %swap3A_123] {strides = array<i32>} : memref<20x128xi32, #tpu.memory_space<vmem>>, vector<16xi32>,
      tpu.vector_store %arg9[%swap3A_122, %swap3A_123], %gather3A_121 {strides = array<i32>} : memref<20x128xi32, #tpu.memory_space<vmem>>, vector<16xi32>,
      %add3A_125 = vector.broadcast %mul3A_2 : i32 to vector<16xi32>
      %add3A_126 = arith.addi %add3A_125, %div3A_120 : vector<16xi32>
      %mul3A_127 = arith.constant 200 : i32
      %mul3A_128 = vector.broadcast %mul3A_127 : i32 to vector<16xi32>
      %mul3A_129 = arith.muli %add3A_126, %mul3A_128 : vector<16xi32>
      %add3A_130 = arith.addi %mul3A_129, %get3A_114 : vector<16xi32>
      %swap3A_131 = arith.index_cast %add3A_13 : i32 to index
      %swap3A_132 = arith.constant 64 : index
      %swap3A_133 = tpu.vector_load %arg10[%swap3A_131, %swap3A_132] {strides = array<i32>} : memref<20x128xi32, #tpu.memory_space<vmem>>, vector<16xi32>,
      tpu.vector_store %arg10[%swap3A_131, %swap3A_132], %add3A_130 {strides = array<i32>} : memref<20x128xi32, #tpu.memory_space<vmem>>, vector<16xi32>,
      %mul3A_134 = arith.constant 128 : i32
      %mul3A_135 = arith.muli %add3A_13, %mul3A_134 : i32
      %add3A_136 = arith.constant 80 : i32
      %add3A_137 = arith.addi %mul3A_135, %add3A_136 : i32
      %get3A_138 = arith.index_cast %add3A_137 : i32 to index
      %get3A_139 = tpu.vector_load %arg7[%get3A_138] {strides = array<i32>} : memref<2560xi32, #tpu.memory_space<vmem>>, vector<16xi32>,
      %iota3A_140 = tpu.iota {dimensions = array<i32: 0>} : vector<16xi32>
      %add3A_141 = vector.broadcast %add3A_137 : i32 to vector<16xi32>
      %add3A_142 = arith.addi %add3A_141, %iota3A_140 : vector<16xi32>
      %div3A_143 = arith.constant 20 : i32
      %div3A_144 = vector.broadcast %div3A_143 : i32 to vector<16xi32>
      %div3A_145 = arith.divsi %add3A_142, %div3A_144 : vector<16xi32>
      %gather3A_146 = tpu.vector_load_idx %arg8[%div3A_145, %get3A_139] : memref<128x200xi32, #tpu.memory_space<vmem>>[vector<16xi32>, vector<16xi32>], vector<16xi32>,
      %swap3A_147 = arith.index_cast %add3A_13 : i32 to index
      %swap3A_148 = arith.constant 80 : index
      %swap3A_149 = tpu.vector_load %arg9[%swap3A_147, %swap3A_148] {strides = array<i32>} : memref<20x128xi32, #tpu.memory_space<vmem>>, vector<16xi32>,
      tpu.vector_store %arg9[%swap3A_147, %swap3A_148], %gather3A_146 {strides = array<i32>} : memref<20x128xi32, #tpu.memory_space<vmem>>, vector<16xi32>,
      %add3A_150 = vector.broadcast %mul3A_2 : i32 to vector<16xi32>
      %add3A_151 = arith.addi %add3A_150, %div3A_145 : vector<16xi32>
      %mul3A_152 = arith.constant 200 : i32
      %mul3A_153 = vector.broadcast %mul3A_152 : i32 to vector<16xi32>
      %mul3A_154 = arith.muli %add3A_151, %mul3A_153 : vector<16xi32>
      %add3A_155 = arith.addi %mul3A_154, %get3A_139 : vector<16xi32>
      %swap3A_156 = arith.index_cast %add3A_13 : i32 to index
      %swap3A_157 = arith.constant 80 : index
      %swap3A_158 = tpu.vector_load %arg10[%swap3A_156, %swap3A_157] {strides = array<i32>} : memref<20x128xi32, #tpu.memory_space<vmem>>, vector<16xi32>,
      tpu.vector_store %arg10[%swap3A_156, %swap3A_157], %add3A_155 {strides = array<i32>} : memref<20x128xi32, #tpu.memory_space<vmem>>, vector<16xi32>,
      %mul3A_159 = arith.constant 128 : i32
      %mul3A_160 = arith.muli %add3A_13, %mul3A_159 : i32
      %add3A_161 = arith.constant 96 : i32
      %add3A_162 = arith.addi %mul3A_160, %add3A_161 : i32
      %get3A_163 = arith.index_cast %add3A_162 : i32 to index
      %get3A_164 = tpu.vector_load %arg7[%get3A_163] {strides = array<i32>} : memref<2560xi32, #tpu.memory_space<vmem>>, vector<16xi32>,
      %iota3A_165 = tpu.iota {dimensions = array<i32: 0>} : vector<16xi32>
      %add3A_166 = vector.broadcast %add3A_162 : i32 to vector<16xi32>
      %add3A_167 = arith.addi %add3A_166, %iota3A_165 : vector<16xi32>
      %div3A_168 = arith.constant 20 : i32
      %div3A_169 = vector.broadcast %div3A_168 : i32 to vector<16xi32>
      %div3A_170 = arith.divsi %add3A_167, %div3A_169 : vector<16xi32>
      %gather3A_171 = tpu.vector_load_idx %arg8[%div3A_170, %get3A_164] : memref<128x200xi32, #tpu.memory_space<vmem>>[vector<16xi32>, vector<16xi32>], vector<16xi32>,
      %swap3A_172 = arith.index_cast %add3A_13 : i32 to index
      %swap3A_173 = arith.constant 96 : index
      %swap3A_174 = tpu.vector_load %arg9[%swap3A_172, %swap3A_173] {strides = array<i32>} : memref<20x128xi32, #tpu.memory_space<vmem>>, vector<16xi32>,
      tpu.vector_store %arg9[%swap3A_172, %swap3A_173], %gather3A_171 {strides = array<i32>} : memref<20x128xi32, #tpu.memory_space<vmem>>, vector<16xi32>,
      %add3A_175 = vector.broadcast %mul3A_2 : i32 to vector<16xi32>
      %add3A_176 = arith.addi %add3A_175, %div3A_170 : vector<16xi32>
      %mul3A_177 = arith.constant 200 : i32
      %mul3A_178 = vector.broadcast %mul3A_177 : i32 to vector<16xi32>
      %mul3A_179 = arith.muli %add3A_176, %mul3A_178 : vector<16xi32>
      %add3A_180 = arith.addi %mul3A_179, %get3A_164 : vector<16xi32>
      %swap3A_181 = arith.index_cast %add3A_13 : i32 to index
      %swap3A_182 = arith.constant 96 : index
      %swap3A_183 = tpu.vector_load %arg10[%swap3A_181, %swap3A_182] {strides = array<i32>} : memref<20x128xi32, #tpu.memory_space<vmem>>, vector<16xi32>,
      tpu.vector_store %arg10[%swap3A_181, %swap3A_182], %add3A_180 {strides = array<i32>} : memref<20x128xi32, #tpu.memory_space<vmem>>, vector<16xi32>,
      %mul3A_184 = arith.constant 128 : i32
      %mul3A_185 = arith.muli %add3A_13, %mul3A_184 : i32
      %add3A_186 = arith.constant 112 : i32
      %add3A_187 = arith.addi %mul3A_185, %add3A_186 : i32
      %get3A_188 = arith.index_cast %add3A_187 : i32 to index
      %get3A_189 = tpu.vector_load %arg7[%get3A_188] {strides = array<i32>} : memref<2560xi32, #tpu.memory_space<vmem>>, vector<16xi32>,
      %iota3A_190 = tpu.iota {dimensions = array<i32: 0>} : vector<16xi32>
      %add3A_191 = vector.broadcast %add3A_187 : i32 to vector<16xi32>
      %add3A_192 = arith.addi %add3A_191, %iota3A_190 : vector<16xi32>
      %div3A_193 = arith.constant 20 : i32
      %div3A_194 = vector.broadcast %div3A_193 : i32 to vector<16xi32>
      %div3A_195 = arith.divsi %add3A_192, %div3A_194 : vector<16xi32>
      %gather3A_196 = tpu.vector_load_idx %arg8[%div3A_195, %get3A_189] : memref<128x200xi32, #tpu.memory_space<vmem>>[vector<16xi32>, vector<16xi32>], vector<16xi32>,
      %swap3A_197 = arith.index_cast %add3A_13 : i32 to index
      %swap3A_198 = arith.constant 112 : index
      %swap3A_199 = tpu.vector_load %arg9[%swap3A_197, %swap3A_198] {strides = array<i32>} : memref<20x128xi32, #tpu.memory_space<vmem>>, vector<16xi32>,
      tpu.vector_store %arg9[%swap3A_197, %swap3A_198], %gather3A_196 {strides = array<i32>} : memref<20x128xi32, #tpu.memory_space<vmem>>, vector<16xi32>,
      %add3A_200 = vector.broadcast %mul3A_2 : i32 to vector<16xi32>
      %add3A_201 = arith.addi %add3A_200, %div3A_195 : vector<16xi32>
      %mul3A_202 = arith.constant 200 : i32
      %mul3A_203 = vector.broadcast %mul3A_202 : i32 to vector<16xi32>
      %mul3A_204 = arith.muli %add3A_201, %mul3A_203 : vector<16xi32>
      %add3A_205 = arith.addi %mul3A_204, %get3A_189 : vector<16xi32>
      %swap3A_206 = arith.index_cast %add3A_13 : i32 to index
      %swap3A_207 = arith.constant 112 : index
      %swap3A_208 = tpu.vector_load %arg10[%swap3A_206, %swap3A_207] {strides = array<i32>} : memref<20x128xi32, #tpu.memory_space<vmem>>, vector<16xi32>,
      tpu.vector_store %arg10[%swap3A_206, %swap3A_207], %add3A_205 {strides = array<i32>} : memref<20x128xi32, #tpu.memory_space<vmem>>, vector<16xi32>,
      %dma_start3A = arith.constant 0 : i32
      %dma_start3A_209 = tpu.memref_slice %arg9[%add3A_13, %dma_start3A] : memref<20x128xi32, #tpu.memory_space<vmem>> -> memref<1x128xi32, #tpu.memory_space<vmem>>
      %dma_start3A_210 = tpu.memref_squeeze %dma_start3A_209 : memref<1x128xi32, #tpu.memory_space<vmem>> -> memref<128xi32, #tpu.memory_space<vmem>>
      %dma_start3A_211 = arith.constant 0 : i32
      %dma_start3A_212 = arith.constant 0 : i32
      %dma_start3A_213 = tpu.memref_slice %arg5[%dma_start3A_211, %dma_start3A_212] : memref<1000000x64xf32, #tpu.memory_space<hbm>> -> memref<1000000x64xf32, #tpu.memory_space<hbm>>
      tpu.enqueue_indirect_dma source(%dma_start3A_213 : memref<1000000x64xf32, #tpu.memory_space<hbm>>) target(%arg11 : memref<128x64xf32, #tpu.memory_space<vmem>>) offsets(%dma_start3A_210 : memref<128xi32, #tpu.memory_space<vmem>>) semaphore(%arg12 : memref<!tpu.dma_semaphore, #tpu.memory_space<semaphore_mem>>)
      %dma_wait3A = arith.constant 0 : i32
      %dma_wait3A_214 = tpu.memref_slice %arg9[%add3A_13, %dma_wait3A] : memref<20x128xi32, #tpu.memory_space<vmem>> -> memref<1x128xi32, #tpu.memory_space<vmem>>
      %dma_wait3A_215 = tpu.memref_squeeze %dma_wait3A_214 : memref<1x128xi32, #tpu.memory_space<vmem>> -> memref<128xi32, #tpu.memory_space<vmem>>
      %dma_wait3A_216 = arith.constant 0 : i32
      %dma_wait3A_217 = arith.constant 0 : i32
      %dma_wait3A_218 = tpu.memref_slice %arg5[%dma_wait3A_216, %dma_wait3A_217] : memref<1000000x64xf32, #tpu.memory_space<hbm>> -> memref<1000000x64xf32, #tpu.memory_space<hbm>>
      tpu.wait_indirect_dma semaphore(%arg12 : memref<!tpu.dma_semaphore, #tpu.memory_space<semaphore_mem>>) src(%dma_wait3A_218 : memref<1000000x64xf32, #tpu.memory_space<hbm>>) dst(%arg11 : memref<128x64xf32, #tpu.memory_space<vmem>>)
      %dma_start3A_219 = arith.constant 0 : i32
      %dma_start3A_220 = tpu.memref_slice %arg10[%add3A_13, %dma_start3A_219] : memref<20x128xi32, #tpu.memory_space<vmem>> -> memref<1x128xi32, #tpu.memory_space<vmem>>
      %dma_start3A_221 = tpu.memref_squeeze %dma_start3A_220 : memref<1x128xi32, #tpu.memory_space<vmem>> -> memref<128xi32, #tpu.memory_space<vmem>>
      %dma_start3A_222 = arith.constant 0 : i32
      %dma_start3A_223 = arith.constant 0 : i32
      %dma_start3A_224 = tpu.memref_slice %arg2[%dma_start3A_222, %dma_start3A_223] : memref<819200x64xf32, #tpu.memory_space<hbm>> -> memref<819200x64xf32, #tpu.memory_space<hbm>>
      tpu.enqueue_indirect_dma source(%arg11 : memref<128x64xf32, #tpu.memory_space<vmem>>) target(%dma_start3A_224 : memref<819200x64xf32, #tpu.memory_space<hbm>>) offsets(%dma_start3A_221 : memref<128xi32, #tpu.memory_space<vmem>>) semaphore(%arg12 : memref<!tpu.dma_semaphore, #tpu.memory_space<semaphore_mem>>)
      %dma_wait3A_225 = arith.constant 0 : i32
      %dma_wait3A_226 = tpu.memref_slice %arg10[%add3A_13, %dma_wait3A_225] : memref<20x128xi32, #tpu.memory_space<vmem>> -> memref<1x128xi32, #tpu.memory_space<vmem>>
      %dma_wait3A_227 = tpu.memref_squeeze %dma_wait3A_226 : memref<1x128xi32, #tpu.memory_space<vmem>> -> memref<128xi32, #tpu.memory_space<vmem>>
      %dma_wait3A_228 = arith.constant 0 : i32
      %dma_wait3A_229 = arith.constant 0 : i32
      %dma_wait3A_230 = tpu.memref_slice %arg2[%dma_wait3A_228, %dma_wait3A_229] : memref<819200x64xf32, #tpu.memory_space<hbm>> -> memref<819200x64xf32, #tpu.memory_space<hbm>>
      tpu.wait_indirect_dma semaphore(%arg12 : memref<!tpu.dma_semaphore, #tpu.memory_space<semaphore_mem>>) src(%arg11 : memref<128x64xf32, #tpu.memory_space<vmem>>) dst(%dma_wait3A_230 : memref<819200x64xf32, #tpu.memory_space<hbm>>)
    }
    %scan3A_8 = arith.constant 20 : i32
    return
  }
}

module attributes {stable_mosaic.version = 14 : i64} {
  func.func @_copy_body(%arg0: i32, %arg1: memref<16x12800xf32, #tpu.memory_space<vmem>>, %arg2: memref<16x12800xf32, #tpu.memory_space<vmem>>) attributes {dimension_semantics = [#tpu.dimension_semantics<arbitrary>], iteration_bounds = array<i64: 256>, scalar_prefetch = 0 : i64, scratch_operands = 0 : i64, tpu.core_type = #tpu.core_type<tc>, window_params = [{transform_indices = @transform_0, window_bounds = array<i64: 16, 12800>}, {transform_indices = @transform_1, window_bounds = array<i64: 16, 12800>}]} {
    %get3A = arith.constant 0 : index
    %get3A_0 = arith.constant 0 : index
    %get3A_1 = vector.load %arg1[%get3A, %get3A_0] : memref<16x12800xf32, #tpu.memory_space<vmem>>, vector<16x12800xf32>
    %swap3A = arith.constant 0 : index
    %swap3A_2 = arith.constant 0 : index
    %swap3A_3 = vector.load %arg2[%swap3A, %swap3A_2] : memref<16x12800xf32, #tpu.memory_space<vmem>>, vector<16x12800xf32>
    tpu.vector_store %arg2[%swap3A, %swap3A_2], %get3A_1 {strides = array<i32>} : memref<16x12800xf32, #tpu.memory_space<vmem>>, vector<16x12800xf32>,
    return
  }
  func.func @transform_0(%arg0: i32) -> (i32, i32) {
    %c0_i32 = arith.constant 0 : i32
    %c0_i32_0 = arith.constant 0 : i32
    return %arg0, %c0_i32 : i32, i32
  }
  func.func @transform_1(%arg0: i32) -> (i32, i32) {
    %c0_i32 = arith.constant 0 : i32
    %c0_i32_0 = arith.constant 0 : i32
    return %arg0, %c0_i32 : i32, i32
  }
}

</mosaic_0001>

<sc_bundles>
// kernel: kernel.4.cloned.1.call-start
scs
__scs_entry_jumppad:
0x0: {  	(pc) =	sbr.rel $0x88, $3  }
0x1: {  	(tag) =	ssettag $0x0;
	lr =	simm.s32 $0x1  }
0x2: {  	[smem:$0x3F9D] =	sst lr;
	_ =	strace $0xD0000000  }
0x3: {  	_ = 	snop  }
0x4: {  	_ = 	snop  }
0x5: {  	_ = 	snop  }
0x6: {  	_ = 	snop  }
0x7: {  	_ = 	snop  }
__scs_overlays_trampoline_lowered:
0x8: {  	[smem:$0x3FAC] =	sst s0  }
0x9: {  	[smem:$0x3FAD] =	sst s1  }
0xa: {  	[smem:$0x3FAE] =	sst s2  }
0xb: {  	[smem:$0x3FAF] =	sst s3  }
0xc: {  	[smem:$0x3FB0] =	sst s4  }
0xd: {  	[smem:$0x3FB1] =	sst s5  }
0xe: {  	[smem:$0x3FB2] =	sst s6  }
0xf: {  	[smem:$0x3FB3] =	sst s7  }
0x10: {  	[smem:$0x3FB4] =	sst s8  }
0x11: {  	[smem:$0x3FB5] =	sst s9;
	s0 =	simm.s32 @!p0 $0x0  }
0x12: {  	s1 =	sld [smem:$0x3F9B];
	s0 =	simm.s32 @p0 $0x1  }
0x13: {  	[smem:$0x3FB6] =	sst s0;
	s0 =	simm.s32 @!p1 $0x0  }
0x14: {  	s2 =	sld [smem:$0x3F9A];
	s0 =	simm.s32 @p1 $0x1  }
0x15: {  	[smem:$0x3FB7] =	sst s0;
	s0 =	simm.s32 @!p2 $0x0  }
0x16: {  	s3 =	sld [smem:$0x3FDB];
	s0 =	simm.s32 @p2 $0x1  }
0x17: {  	s4 =	simm.s32 $0x1BF5;
	[smem:$0x3FB9] =	sst s0  }
0x18: {  	s0 =	sld [smem:$0x3F9C];
	_ =	swait.ge [sflag:s4], $0x0  }
0x19: {  	s7 =	sld [smem:$0x3F9D]  }
0x1a: {  	s8 =	sadd.s32 $0xFFFFE003, lr  }
0x1b: {  	s9 =	sadd.s32 $0xFFFFFEF7, lr;
	s5 =	simm.s32 $0xFFFFFFFF;
	p2 =	slt.u32 s8, $0xFFFFF086  }
0x1c: {  	p1 =	slt.u32 s9, $0xF7A;
	s5 =	simm.s32 @!p2 $0x0  }
0x1d: {  	s5 =	simm.s32 @p1 $0x1;
	p0 =	seq.s32 s7, s2  }
0x1e: {  	s7 =	smul.u32 @!p0 $0xF7A, s2;
	p2 =	seq.s32 @!p0 s5, $0x0  }
0x1f: {  	s9 =	smul.u32 $0xF7A, s1;
	s8 =	simm.s32 @!p0 $0x1BF5;
	p2 =	por !p2, p0  }
0x20: {  	[sflag:s8] =	ssyncset.s32 @!p0 $0xFFFFF086;
	s6 =	sadd.s32 @!p0 s3, s7;
	s7 =	simm.s32 @!p0 $0x108  }
0x21: {  	s3 =	sadd.s32 s3, s9;
	s6 =	sadd.s32 @!p0 $0x88, s6;
	s7 =	simm.s32 @p2 $0x1082  }
0x22: {  	[simem:s7], [sflag:s8] =	dma.local @!p0 [hbm:s6], $0xF7A  }
0x23: {  	s9 =	sor.u32 $0xD0000000, s2;
	s6 =	simm.s32 $0x108;
	_ =	swait.ge @!p0 [sflag:s8], $0x0  }
0x24: {  	s3 =	sadd.s32 $0x88, s3;
	s6 =	simm.s32 @!p1 $0x1082;
	[sflag:s4] =	ssyncset.s32 $0xFFFFF086  }
0x25: {  	[simem:s6], [sflag:s4] =	dma.local [hbm:s3], $0xF7A  }
0x26: {  	[smem:$0x3F9D] =	sst s1;
	(tag) =	ssettag s2;
	_ =	strace s9  }
0x27: {  	s1 =	sld [smem:$0x3FAD]  }
0x28: {  	s2 =	sld [smem:$0x3FAE]  }
0x29: {  	s4 =	sld [smem:$0x3FB0]  }
0x2a: {  	p0 =	seq.s32 s5, $0x0;
	s5 =	sld [smem:$0x3FB1]  }
0x2b: {  	s6 =	sld [smem:$0x3FB2]  }
0x2c: {  	s7 =	sld [smem:$0x3FB3]  }
0x2d: {  	s3 =	simm.s32 $0x108;
	s8 =	sld [smem:$0x3FB4]  }
0x2e: {  	s3 =	simm.s32 @!p0 $0x1082;
	s9 =	sld [smem:$0x3FB5]  }
0x2f: {  	lr =	sadd.s32 s0, s3;
	s0 =	sld [smem:$0x3FAC]  }
0x30: {  	s3 =	sld [smem:$0x3FAF]  }
0x31: {  	[smem:$0x3FB8] =	sst s10  }
0x32: {  	s10 =	sld [smem:$0x3FB6];
	_ =	sdelay $0x3  }
0x33: {  	p0 =	seq.s32 s10, $0x1;
	s10 =	sld [smem:$0x3FB8];
	_ =	sdelay $0x3  }
0x34: {  	[smem:$0x3FB8] =	sst s10  }
0x35: {  	s10 =	sld [smem:$0x3FB7];
	_ =	sdelay $0x3  }
0x36: {  	p1 =	seq.s32 s10, $0x1;
	s10 =	sld [smem:$0x3FB8];
	_ =	sdelay $0x3  }
0x37: {  	[smem:$0x3FB8] =	sst s10  }
0x38: {  	s10 =	sld [smem:$0x3FB9]  }
0x39: {  	_ = 	snop;
	(pc) =	sbr.ind lr, $3  }
0x3a: {  	_ = 	snop  }
0x3b: {  	_ = 	snop  }
0x3c: {  	p2 =	seq.s32 s10, $0x1;
	s10 =	sld [smem:$0x3FB8]  }
0x3d: {  	_ =	shalt  }
0x3e: {  	_ =	shalt  }
0x3f: {  	_ =	shalt  }
0x40: {  	_ =	shalt  }
0x41: {  	_ =	shalt  }
0x42: {  	_ =	shalt  }
0x43: {  	_ =	shalt  }
0x44: {  	_ =	shalt  }
0x45: {  	_ =	shalt  }
0x46: {  	_ =	shalt  }
0x47: {  	_ =	shalt  }
0x48: {  	_ =	shalt  }
0x49: {  	_ =	shalt  }
0x4a: {  	_ =	shalt  }
0x4b: {  	_ =	shalt  }
0x4c: {  	_ =	shalt  }
0x4d: {  	_ =	shalt  }
0x4e: {  	_ =	shalt  }
0x4f: {  	_ =	shalt  }
0x50: {  	_ =	shalt  }
0x51: {  	_ =	shalt  }
0x52: {  	_ =	shalt  }
0x53: {  	_ =	shalt  }
0x54: {  	_ =	shalt  }
0x55: {  	_ =	shalt  }
0x56: {  	_ =	shalt  }
0x57: {  	_ =	shalt  }
0x58: {  	_ =	shalt  }
0x59: {  	_ =	shalt  }
0x5a: {  	_ =	shalt  }
0x5b: {  	_ =	shalt  }
0x5c: {  	_ =	shalt  }
0x5d: {  	_ =	shalt  }
0x5e: {  	_ =	shalt  }
0x5f: {  	_ =	shalt  }
0x60: {  	_ =	shalt  }
0x61: {  	_ =	shalt  }
0x62: {  	_ =	shalt  }
0x63: {  	_ =	shalt  }
0x64: {  	_ =	shalt  }
0x65: {  	_ =	shalt  }
0x66: {  	_ =	shalt  }
0x67: {  	_ =	shalt  }
0x68: {  	_ =	shalt  }
0x69: {  	_ =	shalt  }
0x6a: {  	_ =	shalt  }
0x6b: {  	_ =	shalt  }
0x6c: {  	_ =	shalt  }
0x6d: {  	_ =	shalt  }
0x6e: {  	_ =	shalt  }
0x6f: {  	_ =	shalt  }
0x70: {  	_ =	shalt  }
0x71: {  	_ =	shalt  }
0x72: {  	_ =	shalt  }
0x73: {  	_ =	shalt  }
0x74: {  	_ =	shalt  }
0x75: {  	_ =	shalt  }
0x76: {  	_ =	shalt  }
0x77: {  	_ =	shalt  }
0x78: {  	_ =	shalt  }
0x79: {  	_ =	shalt  }
0x7a: {  	_ =	shalt  }
0x7b: {  	_ =	shalt  }
0x7c: {  	_ =	shalt  }
0x7d: {  	_ =	shalt  }
0x7e: {  	_ =	shalt  }
0x7f: {  	_ =	shalt  }
0x80: {  	_ =	shalt  }
0x81: {  	_ =	shalt  }
0x82: {  	_ =	shalt  }
0x83: {  	_ =	shalt  }
0x84: {  	_ =	shalt  }
0x85: {  	_ =	shalt  }
0x86: {  	_ =	shalt  }
0x87: {  	_ =	shalt  }
.Lfunc_end0:
.L_simem_size_0:
called_computation.1_lowered:
.L_overlay_start_0:
0x88: {  	s2 =	sld [smem:$0x3FD9]  }
0x89: {  	s3 =	sld [smem:$0x3FFE];
	_ =	sdelay $0x1  }
0x8a: {  	s1 =	srdreg.scid  }
0x8b: {  	s0 =	sand.u32 $0x1, s1  }
0x8c: {  	s17 =	sshll.u32 s0, $0xA;
	s2 =	sadd.s32 s3, s2  }
0x8d: {  	s2 =	sadd.s32 s2, s17  }
0x8e: {  	[smem:$0x3FC4] =	sst s2  }
0x8f: {  	_ = 	snop  }
0x90: {  	s2 =	sld [smem:$0x3FD0];
	(tm) =	ssettm $0x1  }
0x91: {  	s18 =	sld [smem:$0x3FFB];
	_ =	sdelay $0x3  }
0x92: {  	_ =	strace s18  }
0x93: {  	s3 =	sld [smem:$0x3FFC];
	_ =	sdelay $0x3  }
0x94: {  	_ =	strace s3  }
0x95: {  	s3 =	sld [smem:$0x3FFD];
	_ =	sdelay $0x3  }
0x96: {  	_ =	strace s3  }
0x97: {  	_ =	strace $0x8FFFFFFF  }
0x98: {  	s19 =	sld [smem:$0x3FDB];
	_ =	sdelay $0x1  }
0x99: {  	s4 =	simm.s32 $_scs_section_size  }
0x9a: {  	s5 =	simm.s32 $_size__tile_overlayer_lowered;
	s6 =	simm.s32 $_tile_overlayer_lowered  }
0x9b: {  	s22 =	simm.s32 $0x1BFF;
	s21 =	sshll.u32 s6, $0x1;
	s3 =	sadd.s32 s4, s19  }
0x9c: {  	s7 =	simm.s32 $0x0;
	s20 =	sshll.u32 s5, $0x1;
	s5 =	sadd.s32 s21, s3  }
0x9d: {  	[timem:s7], [sflag:s22] =	dma.local [hbm:s5], s20  }
0x9e: {  	_ =	swait.ge [sflag:s22], s20  }
0x9f: {  	s4 =	ssub.s32 $0x0, s20;
	[sflag:s22] =	ssyncset.done $0x0  }
0xa0: {  	[sflag:s22] =	ssyncadd.s32 s4;
	_ =	sdelay $0x1  }
0xa1: {  	s23 =	simm.s32 $0x1B8B  }
0xa2: {  	_ =	swait.ge [sflag:s23], $0x1  }
0xa3: {  	[sflag:s23] =	ssyncset.done $0x0  }
0xa4: {  	s25 =	simm.s32 $0x1B8E;
	s24 =	sld [smem:$0x3FFE];
	[sflag:s23] =	ssyncadd.s32 $0xFFFFFFFF  }
0xa5: {  	s26 =	simm.s32 $execute0_lowered;
	[smem:$0x3FD2] =	sst s25  }
0xa6: {  	s5 =	sshll.u32 s26, $0x1;
	_ =	strace $0x80000046;
	[dreg:$0x1] =	wrdreg $0xFFFFFFFF  }
0xa7: {  	s28 =	simm.s32 $_size_execute0_lowered;
	s3 =	sadd.s32 s3, s5;
	[dreg:$0x0] =	wrdreg $0x0  }
0xa8: {  	s5 =	sshll.u32 s28, $0x1;
	[dreg:$0x2] =	wrdreg s3  }
0xa9: {  	[dreg:$0x3] =	wrdreg s5  }
0xaa: {  	[dreg:$0x4] =	wrdreg $0xC0  }
0xab: {  	_ =	task [dreg:s7], $0x5FFFF  }
0xac: {  	[dreg:$0x1] =	wrdreg $0xFFFFFFFF  }
0xad: {  	[dreg:$0x0] =	wrdreg $0x60  }
0xae: {  	[dreg:$0x2] =	wrdreg s2  }
0xaf: {  	[dreg:$0x3] =	wrdreg s24  }
0xb0: {  	[dreg:$0x4] =	wrdreg $0x9  }
0xb1: {  	_ =	task.clear_ibuf [dreg:s7], $0x5FFFF;
	_ =	strace $0x90000046  }
0xb2: {  	s29 =	simm.s32 $0x9;
	_ =	strace $0x80000048  }
0xb3: {  	_ =	swait.ge [sflag:s29], $0x1  }
0xb4: {  	[sflag:s29] =	ssyncadd.s32 $0xFFFFFFFF  }
0xb5: {  	_ =	strace $0x90000048  }
0xb6: {  	_ =	sfence  }
0xb7: {  	s30 =	sld [smem:$0x0];
	_ =	sdelay $0x2  }
0xb8: {  	s31 =	sshll.u32 s1, $0xD;
	s1 =	sshrl.u32 s1, $0x2  }
0xb9: {  	s3 =	sand.u32 $0x4000, s31;
	s1 =	sadd.s32 s1, s30  }
0xba: {  	s0 =	sor.u32 s3, s0;
	s1 =	sshll.u32 s1, $0x11  }
0xbb: {  	s0 =	sor.u32 s1, s0  }
0xbc: {  	s0 =	sadd.s32 $0x8F2B, s0  }
0xbd: {  	[sflag:s0] =	ssyncadd.remote.s32 $0x1  }
0xbe: {  	_ =	sfence.sel $0xFFFF  }
0xbf: {  	[dreg:$0x0] =	wrdreg $0xFFFFFFFF;
	(pc) =	sbr.abs _section_cstart, $3  }
0xc0: {  	[dreg:$0x1] =	wrdreg $0xFFFFFFFF  }
0xc1: {  	_ =	task.clear_ibuf [dreg:s7], $0x2FFFF;
	_ =	strace $0x9FFFFFFF  }
0xc2: {  	(tm) =	ssettm $0x7FFFFFFF  }
0xc3: {  	_ =	shalt  }
tec
execute0_lowered:
.L_overlay_start_1:
0x0: {  	(tag) =	ssettag $0x1  }
0x1: {  	s1 =	srdreg.scid;
	s2 =	rddreg [dreg:$0x0]  }
0x2: {  	s0 =	stileid.u32;
	s5 =	rddreg [dreg:$0x1];
	s3 =	simm.s32 $0x0  }
0x3: {  	s12 =	simm.s32 $0x1;
	s4 =	sand.u32 $0x1, s1;
	s31 =	sshll.u32 s0, $0x1  }
0x4: {  	s13 =	simm.s32 $0x0;
	s1 =	rddreg [dreg:$0x2];
	s6 =	sor.u32 s4, s31  }
0x5: {  	[smem:$0x7FF] =	sst s3;
	s9 =	ssub.s32 $0x2, s4;
	s7 =	smul.u32 $0xC80, s6  }
0x6: {  	_ =	strace $0x80000047;
	s8 =	smul.u32 $0x140, s6;
	s10 =	sshrl.u32 s9, $0x1  }
0x7: {  	s4 =	sadd.s32 $0xF43000, s5;
	s11 =	sshll.u32 s6, $0x7;
	s9 =	ssub.s32 s9, s10  }
0x8: {  	s10 =	simm.s32 $0x80;
	s7 =	sadd.s32 s7, s5;
	s8 =	sadd.s32 s8, s5  }
0x9: {  	v0 =	vmov s11;
	s11 =	simm.s32 $0x8200;
	s5 =	sadd.s32 $0x19C00, s8;
	s6 =	sadd.s32 $0xC00, s7  }
0xa: {  	v1 =	vlaneseq.u32;
	s7 =	smax.u32 s9, $0x1;
	s8 =	simm.s32 $0x2;
	s9 =	simm.s32 $0xA00  }
.LBB2_1:
0xb: {  	[tilespmem:s3], [sflag:$0x2] =	stream.linear.gather [hbm4b:s5+s3], $0xA00, $0x38;
	[tilespmem:$0xA200] =	vst v63  }
0xc: {  	_ =	swait.ge [sflag:s8], $0xA00  }
0xd: {  	[sflag:s8] =	ssyncset.done $0x0  }
0xe: {  	[sflag:s8] =	ssyncadd.s32 $0xFFFFF600  }
0xf: {  	[tilespmem:s9], [sflag:$0x2] =	stream.linear.gather [hbm4b:s6+s3], $0x6400, $0x38;
	[tilespmem:$0xA200] =	vst v63  }
0x10: {  	_ =	swait.ge [sflag:s8], $0x6400  }
0x11: {  	s14 =	simm.s32 $0x70;
	s15 =	simm.s32 $0x7800;
	[sflag:s8] =	ssyncset.done $0x0  }
0x12: {  	s16 =	simm.s32 $0x6E00;
	s17 =	simm.s32 $0x40;
	[sflag:s8] =	ssyncadd.s32 $0xFFFF9C00  }
.LBB2_2:
0x13: {  	s18 =	sadd.s32 $0xFFFFFF90, s14  }
0x14: {  	v2 =	vld [tilespmem:s17+$0xFFFFFFC0];
	v3 =	vor.u32 s18, v1  }
0x15: {  	v3 =	vmulhi.u32 $0xCCCCCCCD, v3;
	_ =	sdelay $0x1  }
0x16: {  	v3 =	vshrl.u32 v3, $0x4  }
0x17: {  	v4 =	vmul.u32 $0xC8, v3  }
0x18: {  	v5 =	vand.u32 $0xFFFFFFF8, v2  }
0x19: {  	v6 =	vand.u32 $0x7, v2;
	v4 =	vadd.s32 v4, v5  }
0x1a: {  	v4 =	vor.u32 v6, v4;
	_ =	sdelay $0x4  }
0x1b: {  	v4 =	vld.idx.msk [tilespmem:v4+s9+$0x0], $0xffff;
	_ =	sdelay $0x1  }
0x1c: {  	v3 =	vadd.s32 v0, v3  }
0x1d: {  	v3 =	vmul.u32 $0xC8, v3;
	_ =	sdelay $0x1  }
0x1e: {  	v2 =	vadd.s32 v3, v2;
	[tilespmem:s16+$0x0] =	vst v4  }
0x1f: {  	s25 =	sadd.s32 $0xFFFFFFA0, s14;
	[tilespmem:s15+$0x0] =	vst v2  }
0x20: {  	v3 =	vor.u32 s25, v1;
	v2 =	vld [tilespmem:s17+$0xFFFFFFD0]  }
0x21: {  	v3 =	vmulhi.u32 $0xCCCCCCCD, v3;
	_ =	sdelay $0x1  }
0x22: {  	v3 =	vshrl.u32 v3, $0x4  }
0x23: {  	v43 =	vmul.u32 $0xC8, v3  }
0x24: {  	v44 =	vand.u32 $0xFFFFFFF8, v2  }
0x25: {  	v45 =	vand.u32 $0x7, v2;
	v4 =	vadd.s32 v43, v44  }
0x26: {  	v4 =	vor.u32 v45, v4;
	_ =	sdelay $0x4  }
0x27: {  	v4 =	vld.idx.msk [tilespmem:v4+s9+$0x0], $0xffff;
	_ =	sdelay $0x1  }
0x28: {  	v3 =	vadd.s32 v0, v3  }
0x29: {  	v3 =	vmul.u32 $0xC8, v3;
	_ =	sdelay $0x1  }
0x2a: {  	v2 =	vadd.s32 v3, v2;
	[tilespmem:s16+$0x10] =	vst v4  }
0x2b: {  	s26 =	sadd.s32 $0xFFFFFFB0, s14;
	[tilespmem:s15+$0x10] =	vst v2  }
0x2c: {  	v3 =	vor.u32 s26, v1;
	v2 =	vld [tilespmem:s17+$0xFFFFFFE0]  }
0x2d: {  	v3 =	vmulhi.u32 $0xCCCCCCCD, v3;
	_ =	sdelay $0x1  }
0x2e: {  	v3 =	vshrl.u32 v3, $0x4  }
0x2f: {  	v46 =	vmul.u32 $0xC8, v3  }
0x30: {  	v47 =	vand.u32 $0xFFFFFFF8, v2  }
0x31: {  	v48 =	vand.u32 $0x7, v2;
	v4 =	vadd.s32 v46, v47  }
0x32: {  	v4 =	vor.u32 v48, v4;
	_ =	sdelay $0x4  }
0x33: {  	v4 =	vld.idx.msk [tilespmem:v4+s9+$0x0], $0xffff;
	_ =	sdelay $0x1  }
0x34: {  	v3 =	vadd.s32 v0, v3  }
0x35: {  	v3 =	vmul.u32 $0xC8, v3;
	_ =	sdelay $0x1  }
0x36: {  	v2 =	vadd.s32 v3, v2;
	[tilespmem:s16+$0x20] =	vst v4  }
0x37: {  	s28 =	sadd.s32 $0xFFFFFFC0, s14;
	[tilespmem:s15+$0x20] =	vst v2  }
0x38: {  	v3 =	vor.u32 s28, v1;
	v2 =	vld [tilespmem:s17+$0xFFFFFFF0]  }
0x39: {  	v3 =	vmulhi.u32 $0xCCCCCCCD, v3;
	_ =	sdelay $0x1  }
0x3a: {  	v3 =	vshrl.u32 v3, $0x4  }
0x3b: {  	v49 =	vmul.u32 $0xC8, v3  }
0x3c: {  	v50 =	vand.u32 $0xFFFFFFF8, v2  }
0x3d: {  	v51 =	vand.u32 $0x7, v2;
	v4 =	vadd.s32 v49, v50  }
0x3e: {  	v4 =	vor.u32 v51, v4;
	_ =	sdelay $0x4  }
0x3f: {  	v4 =	vld.idx.msk [tilespmem:v4+s9+$0x0], $0xffff;
	_ =	sdelay $0x1  }
0x40: {  	v3 =	vadd.s32 v0, v3  }
0x41: {  	v3 =	vmul.u32 $0xC8, v3;
	_ =	sdelay $0x1  }
0x42: {  	v2 =	vadd.s32 v3, v2;
	[tilespmem:s16+$0x30] =	vst v4  }
0x43: {  	s29 =	sadd.s32 $0xFFFFFFD0, s14;
	[tilespmem:s15+$0x30] =	vst v2  }
0x44: {  	v3 =	vor.u32 s29, v1;
	v2 =	vld [tilespmem:s17+$0x0]  }
0x45: {  	v3 =	vmulhi.u32 $0xCCCCCCCD, v3;
	_ =	sdelay $0x1  }
0x46: {  	v3 =	vshrl.u32 v3, $0x4  }
0x47: {  	v52 =	vmul.u32 $0xC8, v3  }
0x48: {  	v53 =	vand.u32 $0xFFFFFFF8, v2  }
0x49: {  	v54 =	vand.u32 $0x7, v2;
	v4 =	vadd.s32 v52, v53  }
0x4a: {  	v4 =	vor.u32 v54, v4;
	_ =	sdelay $0x4  }
0x4b: {  	v4 =	vld.idx.msk [tilespmem:v4+s9+$0x0], $0xffff;
	_ =	sdelay $0x1  }
0x4c: {  	v3 =	vadd.s32 v0, v3  }
0x4d: {  	v3 =	vmul.u32 $0xC8, v3;
	_ =	sdelay $0x1  }
0x4e: {  	v2 =	vadd.s32 v3, v2;
	[tilespmem:s16+$0x40] =	vst v4  }
0x4f: {  	s30 =	sadd.s32 $0xFFFFFFE0, s14;
	[tilespmem:s15+$0x40] =	vst v2  }
0x50: {  	v3 =	vor.u32 s30, v1;
	v2 =	vld [tilespmem:s17+$0x10]  }
0x51: {  	v3 =	vmulhi.u32 $0xCCCCCCCD, v3;
	_ =	sdelay $0x1  }
0x52: {  	v3 =	vshrl.u32 v3, $0x4  }
0x53: {  	v55 =	vmul.u32 $0xC8, v3  }
0x54: {  	v56 =	vand.u32 $0xFFFFFFF8, v2  }
0x55: {  	v57 =	vand.u32 $0x7, v2;
	v4 =	vadd.s32 v55, v56  }
0x56: {  	v4 =	vor.u32 v57, v4;
	_ =	sdelay $0x4  }
0x57: {  	v4 =	vld.idx.msk [tilespmem:v4+s9+$0x0], $0xffff;
	_ =	sdelay $0x1  }
0x58: {  	v3 =	vadd.s32 v0, v3  }
0x59: {  	v3 =	vmul.u32 $0xC8, v3;
	_ =	sdelay $0x1  }
0x5a: {  	v2 =	vadd.s32 v3, v2;
	[tilespmem:s16+$0x50] =	vst v4  }
0x5b: {  	s31 =	sadd.s32 $0xFFFFFFF0, s14;
	[tilespmem:s15+$0x50] =	vst v2  }
0x5c: {  	v3 =	vor.u32 s31, v1;
	v2 =	vld [tilespmem:s17+$0x20]  }
0x5d: {  	v3 =	vmulhi.u32 $0xCCCCCCCD, v3;
	_ =	sdelay $0x1  }
0x5e: {  	v3 =	vshrl.u32 v3, $0x4  }
0x5f: {  	v58 =	vmul.u32 $0xC8, v3  }
0x60: {  	v59 =	vand.u32 $0xFFFFFFF8, v2  }
0x61: {  	v60 =	vand.u32 $0x7, v2;
	v4 =	vadd.s32 v58, v59  }
0x62: {  	v4 =	vor.u32 v60, v4;
	_ =	sdelay $0x4  }
0x63: {  	v4 =	vld.idx.msk [tilespmem:v4+s9+$0x0], $0xffff;
	_ =	sdelay $0x1  }
0x64: {  	v3 =	vadd.s32 v0, v3  }
0x65: {  	v3 =	vmul.u32 $0xC8, v3;
	_ =	sdelay $0x1  }
0x66: {  	v2 =	vadd.s32 v3, v2;
	[tilespmem:s16+$0x60] =	vst v4  }
0x67: {  	[tilespmem:s15+$0x60] =	vst v2  }
0x68: {  	v3 =	vor.u32 s14, v1;
	v2 =	vld [tilespmem:s17+$0x30]  }
0x69: {  	v3 =	vmulhi.u32 $0xCCCCCCCD, v3;
	_ =	sdelay $0x1  }
0x6a: {  	v3 =	vshrl.u32 v3, $0x4  }
0x6b: {  	v61 =	vmul.u32 $0xC8, v3  }
0x6c: {  	v62 =	vand.u32 $0xFFFFFFF8, v2  }
0x6d: {  	v63 =	vand.u32 $0x7, v2;
	v4 =	vadd.s32 v61, v62  }
0x6e: {  	v4 =	vor.u32 v63, v4;
	_ =	sdelay $0x4  }
0x6f: {  	v4 =	vld.idx.msk [tilespmem:v4+s9+$0x0], $0xffff;
	_ =	sdelay $0x1  }
0x70: {  	v3 =	vadd.s32 v0, v3  }
0x71: {  	v3 =	vmul.u32 $0xC8, v3;
	_ =	sdelay $0x1  }
0x72: {  	v2 =	vadd.s32 v3, v2;
	[tilespmem:s16+$0x70] =	vst v4  }
0x73: {  	[tilespmem:s15+$0x70] =	vst v2  }
0x74: {  	[tilespmem:s11], [sflag:$0x1] =	stream.indirect.gather [hbm4b:s4+s10], $0x40, s16, s10, $0xb8;
	[tilespmem:$0xA200] =	vst v63  }
0x75: {  	_ =	swait.ge [sflag:s12], $0x2000  }
0x76: {  	p0 =	sne.s32 s14, $0x9F0;
	[sflag:s12] =	ssyncset.done $0x0  }
.Ltmp0:
0x77: {  	[sflag:s12] =	ssyncadd.s32 $0xFFFFE000;
	(pc) =	sbr.rel @p0 .LBB2_2-.Ltmp0, $4  }
0x78: {  	[hbm4b:s2+s10] =	stream.indirect.scatter [tilespmem:s11], [sflag:$0x1], $0x40, s15, s10, $0xb8;
	[tilespmem:$0xA200] =	vst v63  }
0x79: {  	_ =	swait.ge [sflag:s12], $0x2000  }
0x7a: {  	s14 =	sadd.s32 $0x80, s14;
	s17 =	sadd.s32 $0x80, s17;
	[sflag:s12] =	ssyncset.done $0x0  }
0x7b: {  	s16 =	sadd.s32 $0x80, s16;
	s15 =	sadd.s32 $0x80, s15;
	[sflag:s12] =	ssyncadd.s32 $0xFFFFE000  }
0x7c: {  	s13 =	sadd.s32 $0x1, s13  }
0x7d: {  	p0 =	sne.s32 s13, s7  }
.Ltmp1:
0x7e: {  	_ = 	snop;
	(pc) =	sbr.rel @p0 .LBB2_1-.Ltmp1, $1  }
0x7f: {  	_ =	sdelay $0x3  }
0x80: {  	_ =	sfence.sel $0x180000  }
0x81: {  	[bflag:$0x0] =	sbarrier.arrive $0xFFFF  }
0x82: {  	p0 =	sne.s32 s0, $0x0;
	_ =	strace $0x90000047  }
0x83: {  	s0 =	sadd.s32 @!p0 $0x100000, s1;
	[bflag:$0x2] =	sbarrier.arrive $0xFFFF  }
0x84: {  	[sflag:s0] =	ssyncadd.tile.s32 @!p0 $0x1;
	_ =	shalt  }
.Lfunc_end2:
_tile_overlayer_lowered:
.L_overlay_start_2:
0x85: {  	(tag) =	ssettag $0x2  }
0x86: {  	s0 =	rddreg [dreg:$0x0];
	s2 =	stileid.u32  }
0x87: {  	s1 =	rddreg [dreg:$0x1];
	p0 =	sne.s32 s2, $0x0  }
0x88: {  	s3 =	rddreg [dreg:$0x2];
	[bflag:$0x3] =	sbarrier.arrive $0xFFFF;
	s2 =	simm.s32 @!p0 $0x1C02  }
0x89: {  	[timem:s3], [sflag:s2] =	dma.local @!p0 [hbm:s0], s1  }
0x8a: {  	s0 =	simm.s32 @!p0 $0x2  }
0x8b: {  	_ =	swait.ge @!p0 [sflag:s0], s1  }
0x8c: {  	s1 =	ssub.s32 @!p0 $0x0, s1;
	[sflag:s0] =	ssyncset.done @!p0 $0x0  }
0x8d: {  	[sflag:s0] =	ssyncadd.s32 @!p0 s1  }
0x8e: {  	[bflag:$0x3] =	sbarrier.arrive $0xFFFF  }
0x8f: {  	_ =	shalt  }

// kernel: sparse-core-data-format-call.cloned.1.call-start
scs
called_computation_lowered:
.L_overlay_start_0:
0x0: {  	s2 =	sld [smem:$0x3FD9]  }
0x1: {  	s3 =	sld [smem:$0x3FFE];
	_ =	sdelay $0x1  }
0x2: {  	s1 =	srdreg.scid  }
0x3: {  	s0 =	sand.u32 $0x1, s1  }
0x4: {  	s18 =	sshll.u32 s0, $0xA;
	s2 =	sadd.s32 s3, s2  }
0x5: {  	s2 =	sadd.s32 s2, s18  }
0x6: {  	[smem:$0x3FC4] =	sst s2  }
0x7: {  	_ = 	snop  }
0x8: {  	s2 =	sld [smem:$0x3FD0];
	(tm) =	ssettm $0x1  }
0x9: {  	s19 =	sld [smem:$0x3FFB];
	_ =	sdelay $0x3  }
0xa: {  	_ =	strace s19  }
0xb: {  	s3 =	sld [smem:$0x3FFC];
	_ =	sdelay $0x3  }
0xc: {  	_ =	strace s3  }
0xd: {  	s3 =	sld [smem:$0x3FFD];
	_ =	sdelay $0x3  }
0xe: {  	_ =	strace s3  }
0xf: {  	_ =	strace $0x8FFFFFFF  }
0x10: {  	s20 =	sld [smem:$0x3FDB];
	_ =	sdelay $0x1  }
0x11: {  	s4 =	simm.s32 $_scs_section_size  }
0x12: {  	s5 =	simm.s32 $_size__tile_overlayer_lowered;
	s6 =	simm.s32 $_tile_overlayer_lowered  }
0x13: {  	s23 =	simm.s32 $0x1BFF;
	s22 =	sshll.u32 s6, $0x1;
	s3 =	sadd.s32 s4, s20  }
0x14: {  	s7 =	simm.s32 $0x0;
	s21 =	sshll.u32 s5, $0x1;
	s5 =	sadd.s32 s22, s3  }
0x15: {  	[timem:s7], [sflag:s23] =	dma.local [hbm:s5], s21  }
0x16: {  	_ =	swait.ge [sflag:s23], s21  }
0x17: {  	s4 =	ssub.s32 $0x0, s21;
	[sflag:s23] =	ssyncset.done $0x0  }
0x18: {  	[sflag:s23] =	ssyncadd.s32 s4;
	_ =	sdelay $0x1  }
0x19: {  	s24 =	simm.s32 $0x1B8B  }
0x1a: {  	_ =	swait.ge [sflag:s24], $0x1  }
0x1b: {  	[sflag:s24] =	ssyncset.done $0x0  }
0x1c: {  	s26 =	simm.s32 $0x1B8E;
	s25 =	sld [smem:$0x3FFE];
	[sflag:s24] =	ssyncadd.s32 $0xFFFFFFFF  }
0x1d: {  	s27 =	simm.s32 $execute0_lowered;
	[smem:$0x3FD2] =	sst s26  }
0x1e: {  	s5 =	sshll.u32 s27, $0x1;
	_ =	strace $0x80000049;
	[dreg:$0x1] =	wrdreg $0xFFFFFFFF  }
0x1f: {  	s28 =	simm.s32 $_size_execute0_lowered;
	s3 =	sadd.s32 s3, s5;
	[dreg:$0x0] =	wrdreg $0x0  }
0x20: {  	s5 =	sshll.u32 s28, $0x1;
	[dreg:$0x2] =	wrdreg s3  }
0x21: {  	[dreg:$0x3] =	wrdreg s5  }
0x22: {  	[dreg:$0x4] =	wrdreg $0xC0  }
0x23: {  	_ =	task [dreg:s7], $0x5FFFF  }
0x24: {  	[dreg:$0x1] =	wrdreg $0xFFFFFFFF  }
0x25: {  	[dreg:$0x0] =	wrdreg $0x60  }
0x26: {  	[dreg:$0x2] =	wrdreg s25  }
0x27: {  	[dreg:$0x3] =	wrdreg s2  }
0x28: {  	[dreg:$0x4] =	wrdreg $0x9  }
0x29: {  	_ =	task.clear_ibuf [dreg:s7], $0x5FFFF;
	_ =	strace $0x90000049  }
0x2a: {  	s29 =	simm.s32 $0x9;
	_ =	strace $0x8000004B  }
0x2b: {  	_ =	swait.ge [sflag:s29], $0x1  }
0x2c: {  	[sflag:s29] =	ssyncadd.s32 $0xFFFFFFFF  }
0x2d: {  	_ =	strace $0x9000004B  }
0x2e: {  	_ =	sfence  }
0x2f: {  	s30 =	sld [smem:$0x0];
	_ =	sdelay $0x2  }
0x30: {  	s31 =	sshll.u32 s1, $0xD;
	s1 =	sshrl.u32 s1, $0x2  }
0x31: {  	s3 =	sand.u32 $0x4000, s31;
	s1 =	sadd.s32 s1, s30  }
0x32: {  	s0 =	sor.u32 s3, s0;
	s1 =	sshll.u32 s1, $0x11  }
0x33: {  	s0 =	sor.u32 s1, s0  }
0x34: {  	s0 =	sadd.s32 $0x8F2B, s0  }
0x35: {  	[sflag:s0] =	ssyncadd.remote.s32 $0x1  }
0x36: {  	_ =	sfence.sel $0xFFFF  }
0x37: {  	[dreg:$0x0] =	wrdreg $0xFFFFFFFF;
	(pc) =	sbr.abs _section_cstart, $3  }
0x38: {  	[dreg:$0x1] =	wrdreg $0xFFFFFFFF  }
0x39: {  	_ =	task.clear_ibuf [dreg:s7], $0x2FFFF;
	_ =	strace $0x9FFFFFFF  }
0x3a: {  	(tm) =	ssettm $0x7FFFFFFF  }
0x3b: {  	_ =	shalt  }
tec
execute0_lowered:
.L_overlay_start_1:
0x0: {  	(tag) =	ssettag $0x1  }
0x1: {  	s0 =	srdreg.scid  }
0x2: {  	s1 =	sshll.u32 s0, $0x4  }
0x3: {  	s0 =	stileid.u32;
	s1 =	sand.u32 $0x10, s1  }
0x4: {  	s1 =	sor.u32 s0, s1  }
0x5: {  	s6 =	rddreg [dreg:$0x0];
	s4 =	simm.s32 $0x1;
	s2 =	sshll.u32 s1, $0x7  }
0x6: {  	s7 =	simm.s32 $0x2;
	s12 =	simm.s32 $0x0;
	s1 =	ssub.s32 $0x1000, s2  }
0x7: {  	s8 =	simm.s32 $0x8000;
	s13 =	simm.s32 $0x0;
	s3 =	sand.u32 $0xF80, s1  }
0x8: {  	s9 =	simm.s32 $0x0;
	s5 =	sshrl.u32 s1, $0xC;
	p0 =	sne.s32 s3, $0x0  }
.Ltmp0:
0x9: {  	s1 =	rddreg [dreg:$0x2];
	s4 =	simm.s32 @!p0 $0x0;
	(pc) =	sbr.rel .LBB1_1-.Ltmp0, $4  }
0xa: {  	s11 =	simm.s32 $0x0;
	s3 =	rddreg [dreg:$0x1];
	s5 =	sadd.s32 s4, s5  }
0xb: {  	_ =	strace $0x8000004A;
	s4 =	simm.s32 $0x1;
	s5 =	smul.u32 $0xC8, s5  }
0xc: {  	s6 =	sadd.s32 $0xC00, s6;
	s10 =	smov.u32 s2;
	[sflag:s4] =	ssyncpa.u1 $0x0  }
0xd: {  	p0 =	por $0x0, $0x0;
	[sflag:s7] =	ssyncpa.u1 $0x0;
	s7 =	sor.u32 $0x1, s5  }
.LBB1_4:
0xe: {  	s16 =	sshll.u32 s13, $0x3;
	s17 =	sand.u32 $0x78, s13  }
0xf: {  	s30 =	sand.u32 $0x7E00, s13;
	s12 =	sshll.u32 s12, $0xF;
	s16 =	sand.u32 $0xC00, s16  }
0x10: {  	[tilespmem:s15+$0x810 ss:$0x81] =	vst.msk $0xffff, v2;
	s31 =	sand.u32 $0x7, s13;
	s16 =	sor.u32 s17, s16;
	s17 =	sadd.s32 s3, s30  }
0x11: {  	[tilespmem:s15+$0x1020 ss:$0x81] =	vst.msk $0xffff, v0;
	s13 =	sshll.u32 s31, $0x12;
	s12 =	sadd.s32 s12, s17;
	s16 =	sshrl.u32 s16, $0x3  }
0x12: {  	[tilespmem:s15+$0x0 ss:$0x81] =	vst.msk $0xffff, v1;
	s13 =	sor.u32 $0x400, s13;
	s12 =	sadd.s32 s16, s12  }
0x13: {  	[hbm4b:s12+s13] =	stream.strided.scatter [tilespmem:s14], [sflag:$0x2], $0x2000, s8, s13, $0x20;
	[tilespmem:$0x8080] =	vst v63  }
.LBB1_5:
0x14: {  	s14 =	sadd.s32 $0x1, s9  }
0x15: {  	s12 =	sadd.s32 $0x1000, s10;
	s16 =	smov.u32 s10;
	p2 =	sgt.s32 s14, $0xC7  }
0x16: {  	s16 =	smov.u32 @p2 s12  }
0x17: {  	s14 =	simm.s32 @p2 $0x0;
	p2 =	sgt.s32 s16, $0xFFF  }
0x18: {  	s16 =	smov.u32 @p2 s2;
	p2 =	sne.s32 s11, s7  }
.Ltmp1:
0x19: {  	p1 =	slt.u32 s11, $0x2;
	(pc) =	sbr.rel @!p2 .LBB1_6-.Ltmp1, $4  }
0x1a: {  	s15 =	simm.s32 @!p1 $0x2  }
0x1b: {  	s13 =	smov.u32 s10;
	p0 =	por !p0, !p0;
	_ =	swait.ge @!p1 [sflag:s15], $0x2000  }
0x1c: {  	s12 =	smov.u32 s9;
	[sflag:s15] =	ssyncset.done @!p1 $0x0;
	s9 =	smov.u32 s14  }
0x1d: {  	s11 =	sadd.s32 $0x1, s11;
	[sflag:s15] =	ssyncadd.s32 @!p1 $0xFFFFE000;
	s10 =	smov.u32 s16  }
.LBB1_1:
0x1e: {  	p1 =	sge.u32 s11, s5  }
0x1f: {  	s14 =	sand.u32 @!p1 $0x1FFFFFF, s9  }
0x20: {  	s15 =	smulhi.u32 @!p1 $0x147AE15, s14;
	_ =	sdelay $0x1  }
0x21: {  	s15 =	smul.u32 @!p1 $0xC8, s15  }
0x22: {  	s16 =	sxor.u32 @!p1 $0xFFFFFFFF, s11;
	s17 =	smul.u32 @!p1 $0xC80, s10  }
0x23: {  	s31 =	sadd.s32 $0xFFFFFFFF, s11;
	s16 =	sshll.u32 @!p1 s16, $0xD;
	s14 =	ssub.s32 @!p1 s14, s15  }
0x24: {  	s15 =	sand.u32 @!p1 $0x2000, s16;
	s16 =	sadd.s32 @!p1 s6, s17;
	s14 =	sshll.u32 @!p1 s14, $0x4  }
0x25: {  	s17 =	simm.s32 @!p1 $0x6400;
	s14 =	sadd.s32 @!p1 s14, s16;
	s16 =	simm.s32 @!p1 $0x40  }
0x26: {  	[tilespmem:s15], [sflag:$0x1] =	stream.strided.gather @!p1 [hbm4b:s14+s16], $0x2000, s17, s16, $0x38;
	[tilespmem:$0x8080] =	vst v63  }
0x27: {  	p1 =	sge.u32 s31, s5  }
.Ltmp2:
0x28: {  	_ = 	snop;
	(pc) =	sbr.rel @p1 .LBB1_5-.Ltmp2, $1  }
0x29: {  	_ =	sdelay $0x3  }
0x2a: {  	s14 =	simm.s32 $0x1  }
0x2b: {  	_ =	swait.ge [sflag:s4], $0x2000;
	s14 =	simm.s32 @!p0 $0x0  }
0x2c: {  	[sflag:s4] =	ssyncset.done $0x0;
	s15 =	sshll.u32 s14, $0xD  }
0x2d: {  	[sflag:s4] =	ssyncadd.s32 $0xFFFFE000;
	s18 =	sor.u32 $0x20, s15  }
0x2e: {  	s14 =	smul.u32 $0x8100, s14;
	v3 =	vld [tilespmem:s18+$0x10]  }
0x2f: {  	s30 =	sand.u32 $0x1, s11;
	v2 =	vld [tilespmem:s18+$0xFFFFFFF0]  }
0x30: {  	s15 =	smul.u32 $0x8100, s30;
	s14 =	sshrl.u32 s14, $0x2;
	v0 =	vld [tilespmem:s18+$0x0]  }
0x31: {  	v1 =	vld [tilespmem:s18+$0xFFFFFFE0];
	s16 =	sor.u32 $0x4000, s14  }
0x32: {  	s31 =	sshrl.u32 s15, $0x2;
	s15 =	sadd.s32 $0x0, s16  }
0x33: {  	s17 =	simm.s32 $0x4;
	s18 =	sadd.s32 $0x40, s18;
	s14 =	sor.u32 $0x4000, s31;
	[tilespmem:s15+$0x1830 ss:$0x81] =	vst.msk $0xffff, v3  }
.LBB1_3:
0x34: {  	v3 =	vld [tilespmem:s18+$0x10];
	p1 =	sne.s32 s17, $0x1FC;
	[tilespmem:s15+$0x810 ss:$0x81] =	vst.msk $0xffff, v2;
	s19 =	smov.u32 s17;
	s17 =	sadd.s32 $0x4, s17  }
.Ltmp3:
0x35: {  	v2 =	vld [tilespmem:s18+$0xFFFFFFF0];
	[tilespmem:s15+$0x1020 ss:$0x81] =	vst.msk $0xffff, v0;
	(pc) =	sbr.rel @p1 .LBB1_3-.Ltmp3, $4  }
0x36: {  	v0 =	vld [tilespmem:s18+$0x0];
	[tilespmem:s15+$0x0 ss:$0x81] =	vst.msk $0xffff, v1  }
0x37: {  	s15 =	sshra.s32 s19, $0x2;
	v1 =	vld [tilespmem:s18+$0xFFFFFFE0]  }
0x38: {  	s15 =	sadd.s32 s15, s16  }
0x39: {  	s18 =	sadd.s32 $0x40, s18;
	[tilespmem:s15+$0x1830 ss:$0x81] =	vst.msk $0xffff, v3  }
.Ltmp4:
0x3a: {  	_ = 	snop;
	(pc) =	sbr.rel .LBB1_4-.Ltmp4, $1  }
0x3b: {  	_ =	sdelay $0x3  }
.LBB1_6:
0x3c: {  	_ =	sfence.sel $0x180000  }
0x3d: {  	s2 =	simm.s32 $0x1;
	[bflag:$0x0] =	sbarrier.arrive $0xFFFF  }
0x3e: {  	s31 =	simm.s32 $0x2;
	[sflag:s2] =	ssyncpa.u1 $0x1  }
0x3f: {  	[sflag:s31] =	ssyncpa.u1 $0x1  }
0x40: {  	p0 =	sne.s32 s0, $0x0;
	_ =	strace $0x9000004A  }
0x41: {  	s0 =	sadd.s32 @!p0 $0x100000, s1;
	[bflag:$0x2] =	sbarrier.arrive $0xFFFF  }
0x42: {  	[sflag:s0] =	ssyncadd.tile.s32 @!p0 $0x1;
	_ =	shalt  }
.Lfunc_end1:
_tile_overlayer_lowered:
.L_overlay_start_2:
0x43: {  	(tag) =	ssettag $0x2  }
0x44: {  	s0 =	rddreg [dreg:$0x0];
	s2 =	stileid.u32  }
0x45: {  	s1 =	rddreg [dreg:$0x1];
	p0 =	sne.s32 s2, $0x0  }
0x46: {  	s3 =	rddreg [dreg:$0x2];
	[bflag:$0x3] =	sbarrier.arrive $0xFFFF;
	s2 =	simm.s32 @!p0 $0x1C01  }
0x47: {  	[timem:s3], [sflag:s2] =	dma.local @!p0 [hbm:s0], s1  }
0x48: {  	s0 =	simm.s32 @!p0 $0x1  }
0x49: {  	_ =	swait.ge @!p0 [sflag:s0], s1  }
0x4a: {  	s1 =	ssub.s32 @!p0 $0x0, s1;
	[sflag:s0] =	ssyncset.done @!p0 $0x0  }
0x4b: {  	[sflag:s0] =	ssyncadd.s32 @!p0 s1  }
0x4c: {  	[bflag:$0x3] =	sbarrier.arrive $0xFFFF  }
0x4d: {  	_ =	shalt  }

</sc_bundles>
